<compile_context>
chip_gen: v7x
topology: tpu7x:2x2x1
jax: 0.10.2.dev20260603
libtpu: 0.0.44.dev20260713+nightly
codegen_flags: <defaults>
</compile_context>

<pallas_src>
import numpy as np
import jax
import jax.numpy as jnp
from jax import lax
from jax.experimental import pallas as pl
from jax.experimental.pallas import tpu as pltpu

_BS = 16
_N = 512
_L = _N * _N
_MIN32 = np.int32(-(2**31))


_C = 5


def _absorb_body(t_ref, noise_ref, ec_ref, pot_ref, r_ref, out_ref,
                 ks_ref, jk_ref, *, num_classes):
    b = pl.program_id(0)
    t = t_ref[b]

    noise = noise_ref[0]
    pot = pot_ref[0] != 0
    logits = jnp.where(pot, noise, jnp.float32(-1e9))
    logits = logits + jnp.float32(0.0)
    bits = lax.bitcast_convert_type(logits, jnp.int32)
    ks = jnp.where(bits >= 0, bits, bits ^ jnp.int32(0x7FFFFFFF))
    ks_ref[...] = ks

    def p1(i, pfx):
        bit = jnp.int32(31) - i
        cand = pfx | (jnp.int32(1) << bit)
        cnt = jnp.sum((ks_ref[...] >= (cand ^ _MIN32)).astype(jnp.int32))
        return jnp.where(cnt >= t, cand, pfx)

    pfx = lax.fori_loop(0, 32, p1, jnp.int32(0))
    tau = pfx ^ _MIN32
    c_gt = jnp.sum((ks_ref[...] > tau).astype(jnp.int32))
    need = t - c_gt

    idx = (lax.broadcasted_iota(jnp.int32, (_N, _N), 0) * _N
           + lax.broadcasted_iota(jnp.int32, (_N, _N), 1))
    jk_ref[...] = jnp.where(ks == tau, jnp.int32(_L - 1) - idx, jnp.int32(-1))

    def p2(i, pfx2):
        bit = jnp.int32(17) - i
        cand = pfx2 | (jnp.int32(1) << bit)
        cnt = jnp.sum((jk_ref[...] >= cand).astype(jnp.int32))
        return jnp.where(cnt >= need, cand, pfx2)

    pfx2 = lax.fori_loop(0, 18, p2, jnp.int32(0))
    jstar = jnp.where(need > 0, pfx2, jnp.int32(_L))

    masked = (ks_ref[...] > tau) | (jk_ref[...] >= jstar)
    e_new = jnp.where(masked, jnp.int32(num_classes - 1), ec_ref[0])

    rr = lax.broadcasted_iota(jnp.int32, (_N, _N), 0)
    cc = lax.broadcasted_iota(jnp.int32, (_N, _N), 1)
    e_tri = jnp.where(cc > rr, e_new, 0).astype(jnp.bfloat16)

    nk = _N * num_classes
    rmat = r_ref[...]
    up = lax.dot_general(e_tri, rmat, (((1,), (0,)), ((), ())),
                         preferred_element_type=jnp.float32)
    lo = lax.dot_general(e_tri, rmat, (((0,), (0,)), ((), ())),
                         preferred_element_type=jnp.float32)
    vals = up + lo
    kmod = (lax.broadcasted_iota(jnp.int32, (_N, nk), 1)
            % num_classes).astype(jnp.float32)
    out_ref[0] = (vals == kmod).astype(jnp.float32)


def kernel(noise, e_class, potential_edges_to_mask, t_edges, num_classes):
    del num_classes
    num_classes = _C
    nk = _N * num_classes
    j = np.arange(_N)[:, None]
    k = np.arange(nk)[None, :]
    rmat = jnp.asarray((k // num_classes == j), dtype=jnp.bfloat16)

    import functools
    body = functools.partial(_absorb_body, num_classes=num_classes)

    grid_spec = pltpu.PrefetchScalarGridSpec(
        num_scalar_prefetch=1,
        grid=(_BS,),
        in_specs=[
            pl.BlockSpec((1, _N, _N), lambda b, t: (b, 0, 0)),
            pl.BlockSpec((1, _N, _N), lambda b, t: (b, 0, 0)),
            pl.BlockSpec((1, _N, _N), lambda b, t: (b, 0, 0)),
            pl.BlockSpec((_N, nk), lambda b, t: (0, 0)),
        ],
        out_specs=pl.BlockSpec((1, _N, nk), lambda b, t: (b, 0, 0)),
        scratch_shapes=[
            pltpu.VMEM((_N, _N), jnp.int32),
            pltpu.VMEM((_N, _N), jnp.int32),
        ],
    )
    out = pl.pallas_call(
        body,
        grid_spec=grid_spec,
        out_shape=jax.ShapeDtypeStruct((_BS, _N, nk), jnp.float32),
    )(t_edges.astype(jnp.int32), noise, e_class,
      potential_edges_to_mask.astype(jnp.uint8), rmat)
    return out.reshape(_BS, _N, _N, num_classes)

# --- scband reference (transcript-rebuilt; emitter-appended) ---
"""Pipeline reference for scband-absorbing-graph-kernel-2946347565842 (READ-ONLY COPY).

The authoritative reference and input builder live on the scoring server;
editing this copy changes nothing except your own understanding.
"""

import jax, jax.numpy as jnp
import numpy as np

BS, N, NUM_CLASSES = 16, 512, 5


def setup_inputs(seed: int = 0) -> dict:
    key = jax.random.key(seed)
    k1, k2, k3, k4 = jax.random.split(key, 4)
    e_class = jax.random.randint(k1, (BS, N, N), 0, 4)
    noise = jax.random.normal(k2, (BS, N, N), dtype=jnp.float32)
    potential_edges_to_mask = jax.random.bernoulli(k3, 0.5, (BS, N, N))
    t_edges = jax.random.randint(k4, (BS,), 0, 2000)
    return {
        "noise": noise,
        "e_class": e_class,
        "potential_edges_to_mask": potential_edges_to_mask,
        "t_edges": t_edges,
        "num_classes": NUM_CLASSES,
    }


def reference(noise, e_class, potential_edges_to_mask, t_edges, num_classes):
    # Faithful port of AbsorbingGraphKernel._gumbel_mask_edges (gumbel noise is an
    # explicit input for determinism) followed by the triu+symmetrize+one-hot
    # encoding used in _unmask_edges.
    bs = e_class.shape[0]
    n = e_class.shape[1]
    # logits = potential * noise + ~potential * -1e9
    logits = jnp.where(potential_edges_to_mask, noise, jnp.float32(-1e9))
    flat = logits.reshape(bs, -1)
    L = flat.shape[1]
    # descending sort indices (torch .sort(descending=True))
    order = jnp.argsort(-flat, axis=-1)
    # batch_topk_mask: first t_edges[i] positions of the sorted row are True
    topk = jnp.arange(L)[None, :] < t_edges[:, None]
    e_flat = e_class.reshape(bs, -1)
    e_sorted = jnp.take_along_axis(e_flat, order, axis=-1)
    # e_class_sorted[topk] = num_classes - 1  (absorbing / mask class)
    e_sorted = jnp.where(topk, num_classes - 1, e_sorted)
    # unsort: gather(-1, indices_sorted.argsort(-1))
    inv = jnp.argsort(order, axis=-1)
    e_un = jnp.take_along_axis(e_sorted, inv, axis=-1).reshape(bs, n, n)
    # triu(1) then symmetrize
    e_tri = jnp.triu(e_un, k=1)
    e_sym = e_tri + jnp.swapaxes(e_tri, 1, 2)
    E = jax.nn.one_hot(e_sym, NUM_CLASSES, dtype=jnp.float32)
    return E

if __name__ == "__main__":
    import jax
    _d = setup_inputs()
    print(jax.jit(kernel)(*tuple(_d.values())))

</pallas_src>

<mosaic_0001>
module attributes {stable_mosaic.version = 14 : i64} {
  func.func @_absorb_body(%arg0: i32, %arg1: memref<16xi32, #tpu.memory_space<smem>>, %arg2: memref<1x512x512xf32, #tpu.memory_space<vmem>>, %arg3: memref<1x512x512xi32, #tpu.memory_space<vmem>>, %arg4: memref<1x512x512xi8, #tpu.memory_space<vmem>>, %arg5: memref<512x2560xbf16, #tpu.memory_space<vmem>>, %arg6: memref<1x512x2560xf32, #tpu.memory_space<vmem>>, %arg7: memref<512x512xi32, #tpu.memory_space<vmem>>, %arg8: memref<512x512xi32, #tpu.memory_space<vmem>>) attributes {dimension_semantics = [#tpu.dimension_semantics<arbitrary>], iteration_bounds = array<i64: 16>, scalar_prefetch = 1 : i64, scratch_operands = 2 : i64, tpu.core_type = #tpu.core_type<tc>, window_params = [{transform_indices = @transform_0, window_bounds = array<i64: 1, 512, 512>}, {transform_indices = @transform_1, window_bounds = array<i64: 1, 512, 512>}, {transform_indices = @transform_2, window_bounds = array<i64: 1, 512, 512>}, {pipeline_mode = #tpu.pipeline_mode<synchronous>, transform_indices = @transform_3, window_bounds = array<i64: 512, 2560>}, {transform_indices = @transform_4, window_bounds = array<i64: 1, 512, 2560>}]} {
    %get3A = arith.index_cast %arg0 : i32 to index
    %get3A_0 = memref.load %arg1[%get3A] : memref<16xi32, #tpu.memory_space<smem>>
    %get3A_1 = arith.constant 0 : index
    %get3A_2 = arith.constant 0 : index
    %get3A_3 = arith.constant 0 : index
    %get3A_4 = vector.load %arg2[%get3A_1, %get3A_2, %get3A_3] : memref<1x512x512xf32, #tpu.memory_space<vmem>>, vector<1x512x512xf32>
    %get3A_5 = vector.shape_cast %get3A_4 : vector<1x512x512xf32> to vector<512x512xf32>
    %get3A_6 = arith.constant 0 : index
    %get3A_7 = arith.constant 0 : index
    %get3A_8 = arith.constant 0 : index
    %get3A_9 = vector.load %arg4[%get3A_6, %get3A_7, %get3A_8] : memref<1x512x512xi8, #tpu.memory_space<vmem>>, vector<1x512x512xi8>
    %get3A_10 = vector.shape_cast %get3A_9 : vector<1x512x512xi8> to vector<512x512xi8>
    %ne3A = arith.constant 0 : i8
    %ne3A_11 = vector.broadcast %ne3A : i8 to vector<512x512xi8>
    %ne3A_12 = arith.cmpi ne, %get3A_10, %ne3A_11 : vector<512x512xi8>
    %jit3A = arith.constant -1.000000e+09 : f32
    %broadcast_in_dim3A = vector.broadcast %jit3A : f32 to vector<512x512xf32>
    %select_n3A = arith.select %ne3A_12, %get3A_5, %broadcast_in_dim3A : vector<512x512xi1>, vector<512x512xf32>
    %add3A = arith.constant 0.000000e+00 : f32
    %add3A_13 = vector.broadcast %add3A : f32 to vector<512x512xf32>
    %add3A_14 = arith.addf %select_n3A, %add3A_13 : vector<512x512xf32>
    %bitcast_convert_type3A = tpu.bitcast %add3A_14 : vector<512x512xf32> -> vector<512x512xi32>
    %ge3A = arith.constant 0 : i32
    %ge3A_15 = vector.broadcast %ge3A : i32 to vector<512x512xi32>
    %ge3A_16 = arith.cmpi sge, %bitcast_convert_type3A, %ge3A_15 : vector<512x512xi32>
    %xor3A = arith.constant 2147483647 : i32
    %xor3A_17 = vector.broadcast %xor3A : i32 to vector<512x512xi32>
    %xor3A_18 = arith.xori %bitcast_convert_type3A, %xor3A_17 : vector<512x512xi32>
    %select_n3A_19 = arith.select %ge3A_16, %bitcast_convert_type3A, %xor3A_18 : vector<512x512xi1>, vector<512x512xi32>
    %swap3A = arith.constant 0 : index
    %swap3A_20 = arith.constant 0 : index
    %swap3A_21 = vector.load %arg7[%swap3A, %swap3A_20] : memref<512x512xi32, #tpu.memory_space<vmem>>, vector<512x512xi32>
    tpu.vector_store %arg7[%swap3A, %swap3A_20], %select_n3A_19 {strides = array<i32>} : memref<512x512xi32, #tpu.memory_space<vmem>>, vector<512x512xi32>,
    %scan3A = arith.constant 0 : i32
    %scan3A_22 = arith.constant 0 : i32
    %scan3A_23 = arith.constant 32 : i32
    %scan3A_24 = arith.addi %scan3A_22, %scan3A_23 : i32
    %scan3A_25 = arith.constant 1 : i32
    %scan3A_26 = scf.for %scan3A_125 = %scan3A_22 to %scan3A_24 step %scan3A_25 iter_args(%scan3A_126 = %scan3A) -> (i32)  : i32 {
      %sub3A_127 = arith.constant 31 : i32
      %sub3A_128 = arith.subi %sub3A_127, %scan3A_125 : i32
      %shift_left3A = arith.constant 1 : i32
      %shift_left3A_129 = arith.shli %shift_left3A, %sub3A_128 : i32
      %or3A_130 = arith.ori %scan3A_126, %shift_left3A_129 : i32
      %get3A_131 = arith.constant 0 : index
      %get3A_132 = arith.constant 0 : index
      %get3A_133 = vector.load %arg7[%get3A_131, %get3A_132] : memref<512x512xi32, #tpu.memory_space<vmem>>, vector<512x512xi32>
      %xor3A_134 = arith.constant -2147483648 : i32
      %xor3A_135 = arith.xori %or3A_130, %xor3A_134 : i32
      %ge3A_136 = vector.broadcast %xor3A_135 : i32 to vector<512x512xi32>
      %ge3A_137 = arith.cmpi sge, %get3A_133, %ge3A_136 : vector<512x512xi32>
      %convert_element_type3A_138 = arith.extui %ge3A_137 : vector<512x512xi1> to vector<512x512xi32>
      %reduce_sum3A_139 = vector.shape_cast %convert_element_type3A_138 : vector<512x512xi32> to vector<1x512x512xi32>
      %reduce_sum3A_140 = arith.constant dense<0> : vector<1xi32>
      %reduce_sum3A_141 = vector.multi_reduction <add>, %reduce_sum3A_139, %reduce_sum3A_140 [1, 2] : vector<1x512x512xi32> to vector<1xi32>
      %reduce_sum3A_142 = vector.shape_cast %reduce_sum3A_141 : vector<1xi32> to vector<1x1x1xi32>
      %reduce_sum3A_143 = vector.extract %reduce_sum3A_142[0, 0, 0] : i32 from vector<1x1x1xi32>
      %ge3A_144 = arith.cmpi sge, %reduce_sum3A_143, %get3A_0 : i32
      %select_n3A_145 = arith.select %ge3A_144, %or3A_130, %scan3A_126 : i32
      scf.yield %select_n3A_145 : i32
    }
    %scan3A_27 = arith.constant 32 : i32
    %xor3A_28 = arith.constant -2147483648 : i32
    %xor3A_29 = arith.xori %scan3A_26, %xor3A_28 : i32
    %get3A_30 = arith.constant 0 : index
    %get3A_31 = arith.constant 0 : index
    %get3A_32 = vector.load %arg7[%get3A_30, %get3A_31] : memref<512x512xi32, #tpu.memory_space<vmem>>, vector<512x512xi32>
    %gt3A = vector.broadcast %xor3A_29 : i32 to vector<512x512xi32>
    %gt3A_33 = arith.cmpi sgt, %get3A_32, %gt3A : vector<512x512xi32>
    %convert_element_type3A = arith.extui %gt3A_33 : vector<512x512xi1> to vector<512x512xi32>
    %reduce_sum3A = vector.shape_cast %convert_element_type3A : vector<512x512xi32> to vector<1x512x512xi32>
    %reduce_sum3A_34 = arith.constant dense<0> : vector<1xi32>
    %reduce_sum3A_35 = vector.multi_reduction <add>, %reduce_sum3A, %reduce_sum3A_34 [1, 2] : vector<1x512x512xi32> to vector<1xi32>
    %reduce_sum3A_36 = vector.shape_cast %reduce_sum3A_35 : vector<1xi32> to vector<1x1x1xi32>
    %reduce_sum3A_37 = vector.extract %reduce_sum3A_36[0, 0, 0] : i32 from vector<1x1x1xi32>
    %sub3A = arith.subi %get3A_0, %reduce_sum3A_37 : i32
    %iota3A = tpu.iota {dimensions = array<i32: 0>} : vector<512x512xi32>
    %mul3A = arith.constant 512 : i32
    %mul3A_38 = vector.broadcast %mul3A : i32 to vector<512x512xi32>
    %mul3A_39 = arith.muli %iota3A, %mul3A_38 : vector<512x512xi32>
    %iota3A_40 = tpu.iota {dimensions = array<i32: 1>} : vector<512x512xi32>
    %add3A_41 = arith.addi %mul3A_39, %iota3A_40 : vector<512x512xi32>
    %eq3A = vector.broadcast %xor3A_29 : i32 to vector<512x512xi32>
    %eq3A_42 = arith.cmpi eq, %select_n3A_19, %eq3A : vector<512x512xi32>
    %sub3A_43 = arith.constant 262143 : i32
    %sub3A_44 = vector.broadcast %sub3A_43 : i32 to vector<512x512xi32>
    %sub3A_45 = arith.subi %sub3A_44, %add3A_41 : vector<512x512xi32>
    %jit3A_46 = arith.constant -1 : i32
    %broadcast_in_dim3A_47 = vector.broadcast %jit3A_46 : i32 to vector<512x512xi32>
    %select_n3A_48 = arith.select %eq3A_42, %sub3A_45, %broadcast_in_dim3A_47 : vector<512x512xi1>, vector<512x512xi32>
    %swap3A_49 = arith.constant 0 : index
    %swap3A_50 = arith.constant 0 : index
    %swap3A_51 = vector.load %arg8[%swap3A_49, %swap3A_50] : memref<512x512xi32, #tpu.memory_space<vmem>>, vector<512x512xi32>
    tpu.vector_store %arg8[%swap3A_49, %swap3A_50], %select_n3A_48 {strides = array<i32>} : memref<512x512xi32, #tpu.memory_space<vmem>>, vector<512x512xi32>,
    %scan3A_52 = arith.constant 0 : i32
    %scan3A_53 = arith.constant 0 : i32
    %scan3A_54 = arith.constant 18 : i32
    %scan3A_55 = arith.addi %scan3A_53, %scan3A_54 : i32
    %scan3A_56 = arith.constant 1 : i32
    %scan3A_57 = scf.for %scan3A_125 = %scan3A_53 to %scan3A_55 step %scan3A_56 iter_args(%scan3A_126 = %scan3A_52) -> (i32)  : i32 {
      %sub3A_127 = arith.constant 17 : i32
      %sub3A_128 = arith.subi %sub3A_127, %scan3A_125 : i32
      %shift_left3A = arith.constant 1 : i32
      %shift_left3A_129 = arith.shli %shift_left3A, %sub3A_128 : i32
      %or3A_130 = arith.ori %scan3A_126, %shift_left3A_129 : i32
      %get3A_131 = arith.constant 0 : index
      %get3A_132 = arith.constant 0 : index
      %get3A_133 = vector.load %arg8[%get3A_131, %get3A_132] : memref<512x512xi32, #tpu.memory_space<vmem>>, vector<512x512xi32>
      %ge3A_134 = vector.broadcast %or3A_130 : i32 to vector<512x512xi32>
      %ge3A_135 = arith.cmpi sge, %get3A_133, %ge3A_134 : vector<512x512xi32>
      %convert_element_type3A_136 = arith.extui %ge3A_135 : vector<512x512xi1> to vector<512x512xi32>
      %reduce_sum3A_137 = vector.shape_cast %convert_element_type3A_136 : vector<512x512xi32> to vector<1x512x512xi32>
      %reduce_sum3A_138 = arith.constant dense<0> : vector<1xi32>
      %reduce_sum3A_139 = vector.multi_reduction <add>, %reduce_sum3A_137, %reduce_sum3A_138 [1, 2] : vector<1x512x512xi32> to vector<1xi32>
      %reduce_sum3A_140 = vector.shape_cast %reduce_sum3A_139 : vector<1xi32> to vector<1x1x1xi32>
      %reduce_sum3A_141 = vector.extract %reduce_sum3A_140[0, 0, 0] : i32 from vector<1x1x1xi32>
      %ge3A_142 = arith.cmpi sge, %reduce_sum3A_141, %sub3A : i32
      %select_n3A_143 = arith.select %ge3A_142, %or3A_130, %scan3A_126 : i32
      scf.yield %select_n3A_143 : i32
    }
    %scan3A_58 = arith.constant 18 : i32
    %gt3A_59 = arith.constant 0 : i32
    %gt3A_60 = arith.cmpi sgt, %sub3A, %gt3A_59 : i32
    %jit3A_61 = arith.constant 262144 : i32
    %select_n3A_62 = arith.select %gt3A_60, %scan3A_57, %jit3A_61 : i32
    %get3A_63 = arith.constant 0 : index
    %get3A_64 = arith.constant 0 : index
    %get3A_65 = vector.load %arg7[%get3A_63, %get3A_64] : memref<512x512xi32, #tpu.memory_space<vmem>>, vector<512x512xi32>
    %gt3A_66 = vector.broadcast %xor3A_29 : i32 to vector<512x512xi32>
    %gt3A_67 = arith.cmpi sgt, %get3A_65, %gt3A_66 : vector<512x512xi32>
    %get3A_68 = arith.constant 0 : index
    %get3A_69 = arith.constant 0 : index
    %get3A_70 = vector.load %arg8[%get3A_68, %get3A_69] : memref<512x512xi32, #tpu.memory_space<vmem>>, vector<512x512xi32>
    %ge3A_71 = vector.broadcast %select_n3A_62 : i32 to vector<512x512xi32>
    %ge3A_72 = arith.cmpi sge, %get3A_70, %ge3A_71 : vector<512x512xi32>
    %or3A = arith.ori %gt3A_67, %ge3A_72 : vector<512x512xi1>
    %get3A_73 = arith.constant 0 : index
    %get3A_74 = arith.constant 0 : index
    %get3A_75 = arith.constant 0 : index
    %get3A_76 = vector.load %arg3[%get3A_73, %get3A_74, %get3A_75] : memref<1x512x512xi32, #tpu.memory_space<vmem>>, vector<1x512x512xi32>
    %get3A_77 = vector.shape_cast %get3A_76 : vector<1x512x512xi32> to vector<512x512xi32>
    %jit3A_78 = arith.constant 4 : i32
    %broadcast_in_dim3A_79 = vector.broadcast %jit3A_78 : i32 to vector<512x512xi32>
    %select_n3A_80 = arith.select %or3A, %broadcast_in_dim3A_79, %get3A_77 : vector<512x512xi1>, vector<512x512xi32>
    %iota3A_81 = tpu.iota {dimensions = array<i32: 0>} : vector<512x512xi32>
    %iota3A_82 = tpu.iota {dimensions = array<i32: 1>} : vector<512x512xi32>
    %gt3A_83 = arith.cmpi sgt, %iota3A_82, %iota3A_81 : vector<512x512xi32>
    %jit3A_84 = arith.constant 0 : i32
    %broadcast_in_dim3A_85 = vector.broadcast %jit3A_84 : i32 to vector<512x512xi32>
    %select_n3A_86 = arith.select %gt3A_83, %select_n3A_80, %broadcast_in_dim3A_85 : vector<512x512xi1>, vector<512x512xi32>
    %convert_element_type3A_87 = arith.sitofp %select_n3A_86 : vector<512x512xi32> to vector<512x512xbf16>
    %get3A_88 = arith.constant 0 : index
    %get3A_89 = arith.constant 0 : index
    %get3A_90 = vector.load %arg5[%get3A_88, %get3A_89] : memref<512x2560xbf16, #tpu.memory_space<vmem>>, vector<512x2560xbf16>
    %dot_general3A = arith.constant dense<0.000000e+00> : vector<512x2560xf32>
    %dot_general3A_91 = tpu.matmul %convert_element_type3A_87, %get3A_90, %dot_general3A {dimension_numbers = #tpu.dot_dimension_numbers<[1], [0], [0], [1], [0, 0, 1, 1], [], []>, transpose_lhs_hint = false} : vector<512x512xbf16>, vector<512x2560xbf16>, vector<512x2560xf32> -> vector<512x2560xf32>
    %dot_general3A_92 = arith.constant dense<0.000000e+00> : vector<512x2560xf32>
    %dot_general3A_93 = tpu.matmul %convert_element_type3A_87, %get3A_90, %dot_general3A_92 {dimension_numbers = #tpu.dot_dimension_numbers<[0], [0], [1], [1], [0, 1, 1, 1], [], []>, transpose_lhs_hint = false} : vector<512x512xbf16>, vector<512x2560xbf16>, vector<512x2560xf32> -> vector<512x2560xf32>
    %add3A_94 = arith.addf %dot_general3A_91, %dot_general3A_93 : vector<512x2560xf32>
    %iota3A_95 = tpu.iota {dimensions = array<i32: 1>} : vector<512x2560xi32>
    %jit3A_96 = arith.constant 5 : i32
    %eq3A_97 = arith.constant 0 : i32
    %eq3A_98 = arith.cmpi eq, %jit3A_96, %eq3A_97 : i32
    %jit3A_99 = arith.constant 1 : i32
    %select_n3A_100 = arith.select %eq3A_98, %jit3A_99, %jit3A_96 : i32
    %rem3A = vector.broadcast %select_n3A_100 : i32 to vector<512x2560xi32>
    %rem3A_101 = arith.remsi %iota3A_95, %rem3A : vector<512x2560xi32>
    %ne3A_102 = arith.constant 0 : i32
    %ne3A_103 = vector.broadcast %ne3A_102 : i32 to vector<512x2560xi32>
    %ne3A_104 = arith.cmpi ne, %rem3A_101, %ne3A_103 : vector<512x2560xi32>
    %lt3A = arith.constant 0 : i32
    %lt3A_105 = vector.broadcast %lt3A : i32 to vector<512x2560xi32>
    %lt3A_106 = arith.cmpi slt, %rem3A_101, %lt3A_105 : vector<512x2560xi32>
    %lt3A_107 = arith.constant 0 : i32
    %lt3A_108 = arith.cmpi slt, %select_n3A_100, %lt3A_107 : i32
    %ne3A_109 = vector.broadcast %lt3A_108 : i1 to vector<512x2560xi1>
    %ne3A_110 = vector.broadcast %ne3A_109 : vector<512x2560xi1> to vector<512x2560xi1>
    %ne3A_111 = arith.xori %lt3A_106, %ne3A_110 : vector<512x2560xi1>
    %and3A = arith.andi %ne3A_111, %ne3A_104 : vector<512x2560xi1>
    %add3A_112 = vector.broadcast %select_n3A_100 : i32 to vector<512x2560xi32>
    %add3A_113 = arith.addi %rem3A_101, %add3A_112 : vector<512x2560xi32>
    %select_n3A_114 = arith.select %and3A, %add3A_113, %rem3A_101 : vector<512x2560xi1>, vector<512x2560xi32>
    %convert_element_type3A_115 = arith.sitofp %select_n3A_114 : vector<512x2560xi32> to vector<512x2560xf32>
    %eq3A_116 = arith.cmpf oeq, %add3A_94, %convert_element_type3A_115 : vector<512x2560xf32>
    %convert_element_type3A_117 = arith.extui %eq3A_116 : vector<512x2560xi1> to vector<512x2560xi32>
    %convert_element_type3A_118 = arith.sitofp %convert_element_type3A_117 : vector<512x2560xi32> to vector<512x2560xf32>
    %swap3A_119 = arith.constant 0 : index
    %swap3A_120 = arith.constant 0 : index
    %swap3A_121 = arith.constant 0 : index
    %swap3A_122 = vector.load %arg6[%swap3A_119, %swap3A_120, %swap3A_121] : memref<1x512x2560xf32, #tpu.memory_space<vmem>>, vector<1x512x2560xf32>
    %swap3A_123 = vector.shape_cast %swap3A_122 : vector<1x512x2560xf32> to vector<512x2560xf32>
    %swap3A_124 = vector.shape_cast %convert_element_type3A_118 : vector<512x2560xf32> to vector<1x512x2560xf32>
    tpu.vector_store %arg6[%swap3A_119, %swap3A_120, %swap3A_121], %swap3A_124 {strides = array<i32>} : memref<1x512x2560xf32, #tpu.memory_space<vmem>>, vector<1x512x2560xf32>,
    return
  }
  func.func @transform_0(%arg0: i32, %arg1: memref<16xi32, #tpu.memory_space<smem>>) -> (i32, i32, i32) {
    %c0_i32 = arith.constant 0 : i32
    %c0_i32_0 = arith.constant 0 : i32
    %c0_i32_1 = arith.constant 0 : i32
    return %arg0, %c0_i32, %c0_i32_0 : i32, i32, i32
  }
  func.func @transform_1(%arg0: i32, %arg1: memref<16xi32, #tpu.memory_space<smem>>) -> (i32, i32, i32) {
    %c0_i32 = arith.constant 0 : i32
    %c0_i32_0 = arith.constant 0 : i32
    %c0_i32_1 = arith.constant 0 : i32
    return %arg0, %c0_i32, %c0_i32_0 : i32, i32, i32
  }
  func.func @transform_2(%arg0: i32, %arg1: memref<16xi32, #tpu.memory_space<smem>>) -> (i32, i32, i32) {
    %c0_i32 = arith.constant 0 : i32
    %c0_i32_0 = arith.constant 0 : i32
    %c0_i32_1 = arith.constant 0 : i32
    return %arg0, %c0_i32, %c0_i32_0 : i32, i32, i32
  }
  func.func @transform_3(%arg0: i32, %arg1: memref<16xi32, #tpu.memory_space<smem>>) -> (i32, i32) {
    %c0_i32 = arith.constant 0 : i32
    %c0_i32_0 = arith.constant 0 : i32
    %c0_i32_1 = arith.constant 0 : i32
    return %c0_i32, %c0_i32_0 : i32, i32
  }
  func.func @transform_4(%arg0: i32, %arg1: memref<16xi32, #tpu.memory_space<smem>>) -> (i32, i32, i32) {
    %c0_i32 = arith.constant 0 : i32
    %c0_i32_0 = arith.constant 0 : i32
    %c0_i32_1 = arith.constant 0 : i32
    return %arg0, %c0_i32, %c0_i32_0 : i32, i32, i32
  }
}

</mosaic_0001>

<sc_bundles>
// kernel: sparse-core-data-format-call.cloned.1.call-start
scs
called_computation_lowered:
.L_overlay_start_0:
0x0: {  	s2 =	sld [smem:$0x3FD9]  }
0x1: {  	s3 =	sld [smem:$0x3FFE];
	_ =	sdelay $0x1  }
0x2: {  	s1 =	srdreg.scid  }
0x3: {  	s0 =	sand.u32 $0x1, s1  }
0x4: {  	s18 =	sshll.u32 s0, $0xA;
	s2 =	sadd.s32 s3, s2  }
0x5: {  	s2 =	sadd.s32 s2, s18  }
0x6: {  	[smem:$0x3FC4] =	sst s2  }
0x7: {  	_ = 	snop  }
0x8: {  	s2 =	sld [smem:$0x3FD0];
	(tm) =	ssettm $0x1  }
0x9: {  	s19 =	sld [smem:$0x3FFB];
	_ =	sdelay $0x3  }
0xa: {  	_ =	strace s19  }
0xb: {  	s3 =	sld [smem:$0x3FFC];
	_ =	sdelay $0x3  }
0xc: {  	_ =	strace s3  }
0xd: {  	s3 =	sld [smem:$0x3FFD];
	_ =	sdelay $0x3  }
0xe: {  	_ =	strace s3  }
0xf: {  	_ =	strace $0x8FFFFFFF  }
0x10: {  	s20 =	sld [smem:$0x3FDB];
	_ =	sdelay $0x1  }
0x11: {  	s4 =	simm.s32 $_scs_section_size  }
0x12: {  	s5 =	simm.s32 $_size__tile_overlayer_lowered;
	s6 =	simm.s32 $_tile_overlayer_lowered  }
0x13: {  	s23 =	simm.s32 $0x1BFF;
	s22 =	sshll.u32 s6, $0x1;
	s3 =	sadd.s32 s4, s20  }
0x14: {  	s7 =	simm.s32 $0x0;
	s21 =	sshll.u32 s5, $0x1;
	s5 =	sadd.s32 s22, s3  }
0x15: {  	[timem:s7], [sflag:s23] =	dma.local [hbm:s5], s21  }
0x16: {  	_ =	swait.ge [sflag:s23], s21  }
0x17: {  	s4 =	ssub.s32 $0x0, s21;
	[sflag:s23] =	ssyncset.done $0x0  }
0x18: {  	[sflag:s23] =	ssyncadd.s32 s4;
	_ =	sdelay $0x1  }
0x19: {  	s24 =	simm.s32 $0x1B8B  }
0x1a: {  	_ =	swait.ge [sflag:s24], $0x1  }
0x1b: {  	[sflag:s24] =	ssyncset.done $0x0  }
0x1c: {  	s26 =	simm.s32 $0x1B8E;
	s25 =	sld [smem:$0x3FFE];
	[sflag:s24] =	ssyncadd.s32 $0xFFFFFFFF  }
0x1d: {  	s27 =	simm.s32 $execute0_lowered;
	[smem:$0x3FD2] =	sst s26  }
0x1e: {  	s5 =	sshll.u32 s27, $0x1;
	_ =	strace $0x80000046;
	[dreg:$0x1] =	wrdreg $0xFFFFFFFF  }
0x1f: {  	s28 =	simm.s32 $_size_execute0_lowered;
	s3 =	sadd.s32 s3, s5;
	[dreg:$0x0] =	wrdreg $0x0  }
0x20: {  	s5 =	sshll.u32 s28, $0x1;
	[dreg:$0x2] =	wrdreg s3  }
0x21: {  	[dreg:$0x3] =	wrdreg s5  }
0x22: {  	[dreg:$0x4] =	wrdreg $0xC0  }
0x23: {  	_ =	task [dreg:s7], $0x5FFFF  }
0x24: {  	[dreg:$0x1] =	wrdreg $0xFFFFFFFF  }
0x25: {  	[dreg:$0x0] =	wrdreg $0x60  }
0x26: {  	[dreg:$0x2] =	wrdreg s25  }
0x27: {  	[dreg:$0x3] =	wrdreg s2  }
0x28: {  	[dreg:$0x4] =	wrdreg $0x9  }
0x29: {  	_ =	task.clear_ibuf [dreg:s7], $0x5FFFF;
	_ =	strace $0x90000046  }
0x2a: {  	s29 =	simm.s32 $0x9;
	_ =	strace $0x80000048  }
0x2b: {  	_ =	swait.ge [sflag:s29], $0x1  }
0x2c: {  	[sflag:s29] =	ssyncadd.s32 $0xFFFFFFFF  }
0x2d: {  	_ =	strace $0x90000048  }
0x2e: {  	_ =	sfence  }
0x2f: {  	s30 =	sld [smem:$0x0];
	_ =	sdelay $0x2  }
0x30: {  	s31 =	sshll.u32 s1, $0xD;
	s1 =	sshrl.u32 s1, $0x2  }
0x31: {  	s3 =	sand.u32 $0x4000, s31;
	s1 =	sadd.s32 s1, s30  }
0x32: {  	s0 =	sor.u32 s3, s0;
	s1 =	sshll.u32 s1, $0x11  }
0x33: {  	s0 =	sor.u32 s1, s0  }
0x34: {  	s0 =	sadd.s32 $0x8F2B, s0  }
0x35: {  	[sflag:s0] =	ssyncadd.remote.s32 $0x1  }
0x36: {  	_ =	sfence.sel $0xFFFF  }
0x37: {  	[dreg:$0x0] =	wrdreg $0xFFFFFFFF;
	(pc) =	sbr.abs _section_cstart, $3  }
0x38: {  	[dreg:$0x1] =	wrdreg $0xFFFFFFFF  }
0x39: {  	_ =	task.clear_ibuf [dreg:s7], $0x2FFFF;
	_ =	strace $0x9FFFFFFF  }
0x3a: {  	(tm) =	ssettm $0x7FFFFFFF  }
0x3b: {  	_ =	shalt  }
tec
execute0_lowered:
.L_overlay_start_1:
0x0: {  	(tag) =	ssettag $0x1  }
0x1: {  	s0 =	stileid.u32;
	s4 =	rddreg [dreg:$0x0]  }
0x2: {  	s3 =	rddreg [dreg:$0x1];
	s7 =	srdreg.scid;
	s8 =	simm.s32 $0x2  }
0x3: {  	s18 =	simm.s32 $0x0;
	s9 =	simm.s32 $0x1000;
	s16 =	simm.s32 $0x0  }
0x4: {  	s17 =	simm.s32 $0x0;
	s15 =	simm.s32 $0x0;
	s1 =	sshll.u32 s0, $0x7  }
0x5: {  	s10 =	simm.s32 $0x0;
	s12 =	simm.s32 $0x0;
	s2 =	sand.u32 $0x180, s1  }
0x6: {  	s14 =	simm.s32 $0x0;
	s4 =	sadd.s32 $0x600, s4;
	s5 =	ssub.s32 $0x200, s2  }
0x7: {  	s7 =	sshll.u32 s7, $0x4;
	s1 =	rddreg [dreg:$0x2];
	s6 =	sand.u32 $0x180, s5  }
0x8: {  	s7 =	sand.u32 $0x10, s7;
	p0 =	sne.s32 s6, $0x0;
	s6 =	simm.s32 $0x1  }
.Ltmp0:
0x9: {  	s5 =	sshrl.u32 s5, $0x9;
	s6 =	simm.s32 @!p0 $0x0;
	(pc) =	sbr.rel .LBB1_1-.Ltmp0, $4  }
0xa: {  	_ =	strace $0x80000047;
	s7 =	sor.u32 s0, s7;
	s6 =	sadd.s32 s6, s5  }
0xb: {  	s7 =	sshrl.u32 s7, $0x2;
	s5 =	simm.s32 $0x1;
	s6 =	smul.u32 $0x28, s6  }
0xc: {  	s13 =	smov.u32 s2;
	s11 =	smov.u32 s7;
	[sflag:s5] =	ssyncpa.u1 $0x0  }
0xd: {  	p0 =	por $0x0, $0x0;
	[sflag:s8] =	ssyncpa.u1 $0x0;
	s8 =	sor.u32 $0x1, s6  }
.LBB1_4:
0xe: {  	v5 =	vld [tilespmem:s20+$0xFFFFFFD0];
	[tilespmem:s22+$0x2040 ss:$0x81] =	vst.msk $0xffff, v2  }
0xf: {  	v58 =	vld [tilespmem:s20+$0xFFFFFFE0];
	[tilespmem:s22+$0x2850 ss:$0x81] =	vst.msk $0xffff, v3  }
0x10: {  	s23 =	sshra.s32 s23, $0x2;
	v59 =	vld [tilespmem:s20+$0xFFFFFFF0];
	[tilespmem:s22+$0x3060 ss:$0x81] =	vst.msk $0xffff, v4  }
0x11: {  	v60 =	vld [tilespmem:s20+$0x0];
	[tilespmem:s22+$0x0 ss:$0x81] =	vst.msk $0xffff, v0;
	s21 =	sadd.s32 s23, s21  }
0x12: {  	s24 =	sshll.u32 s18, $0x9;
	s25 =	sshll.u32 s15, $0x3;
	v61 =	vld [tilespmem:s20+$0x10];
	s26 =	sshll.u32 s18, $0x7;
	[tilespmem:s21+$0x3870 ss:$0x81] =	vst.msk $0xffff, v1  }
0x13: {  	v62 =	vld [tilespmem:s20+$0x20];
	s28 =	sand.u32 $0x78, s15;
	s16 =	smul.u32 $0x28000, s16;
	s17 =	sshll.u32 s17, $0xF;
	[tilespmem:s21+$0x810 ss:$0x81] =	vst.msk $0xffff, v5  }
0x14: {  	v63 =	vld [tilespmem:s20+$0xFFFFFFC0];
	s30 =	sand.u32 $0x7, s15;
	s22 =	sand.u32 $0x3F000, s24;
	s23 =	sand.u32 $0x3FC00, s25;
	[tilespmem:s21+$0x1020 ss:$0x81] =	vst.msk $0xffff, v58  }
0x15: {  	s27 =	sand.u32 $0x200, s26;
	s18 =	sand.u32 $0x180, s26;
	s22 =	sadd.s32 s23, s22;
	[tilespmem:s21+$0x1830 ss:$0x81] =	vst.msk $0xffff, v59  }
0x16: {  	s17 =	sadd.s32 s3, s17;
	s18 =	sor.u32 s28, s18;
	s22 =	sor.u32 s27, s22;
	[tilespmem:s21+$0x2040 ss:$0x81] =	vst.msk $0xffff, v60  }
0x17: {  	s16 =	sadd.s32 s16, s17;
	s18 =	sshrl.u32 s18, $0x3;
	s29 =	sshrl.u32 s22, $0x3;
	[tilespmem:s21+$0x2850 ss:$0x81] =	vst.msk $0xffff, v61  }
0x18: {  	s15 =	sshll.u32 s30, $0x12;
	s16 =	sadd.s32 s18, s16;
	[tilespmem:s21+$0x3060 ss:$0x81] =	vst.msk $0xffff, v62;
	s31 =	sand.u32 $0x7FC0, s29  }
0x19: {  	s15 =	sor.u32 $0x400, s15;
	[tilespmem:s21+$0x0 ss:$0x81] =	vst.msk $0xffff, v63;
	s16 =	sadd.s32 s31, s16  }
0x1a: {  	[hbm4b:s16+s15] =	stream.strided.scatter [tilespmem:s19], [sflag:$0x2], $0x4000, s9, s15, $0x20;
	[tilespmem:$0x10100] =	vst v63  }
.LBB1_5:
0x1b: {  	s19 =	sadd.s32 $0x80, s10  }
0x1c: {  	s15 =	sadd.s32 $0x8, s11;
	s20 =	smov.u32 s11;
	p2 =	sgt.s32 s19, $0x1FF  }
0x1d: {  	s20 =	smov.u32 @p2 s15  }
0x1e: {  	s15 =	simm.s32 $0x1;
	p3 =	sgt.s32 s20, $0xF  }
0x1f: {  	s15 =	simm.s32 @!p3 $0x0  }
0x20: {  	s21 =	sadd.s32 s15, s12  }
0x21: {  	s22 =	smov.u32 s13;
	s15 =	sadd.s32 $0x200, s13;
	p4 =	sgt.s32 s21, $0x4  }
0x22: {  	p1 =	slt.u32 s14, $0x2;
	s22 =	smov.u32 @p4 s15  }
0x23: {  	s18 =	smov.u32 s10;
	s19 =	simm.s32 @p2 $0x0;
	p2 =	sgt.s32 s22, $0x1FF  }
0x24: {  	s23 =	simm.s32 @!p1 $0x2;
	s22 =	smov.u32 @p2 s2;
	p2 =	sne.s32 s14, s8  }
.Ltmp1:
0x25: {  	s16 =	smov.u32 s11;
	_ =	swait.ge @!p1 [sflag:s23], $0x4000;
	(pc) =	sbr.rel @!p2 .LBB1_6-.Ltmp1, $4  }
0x26: {  	s17 =	smov.u32 s12;
	p0 =	por !p0, !p0;
	[sflag:s23] =	ssyncset.done @!p1 $0x0  }
0x27: {  	s10 =	smov.u32 s19;
	s20 =	smov.u32 @p3 s7;
	[sflag:s23] =	ssyncadd.s32 @!p1 $0xFFFFC000  }
0x28: {  	s11 =	smov.u32 s20;
	s21 =	simm.s32 @p4 $0x0;
	s15 =	smov.u32 s13  }
0x29: {  	s12 =	smov.u32 s21;
	s14 =	sadd.s32 $0x1, s14;
	s13 =	smov.u32 s22  }
.LBB1_1:
0x2a: {  	p1 =	sge.u32 s14, s6;
	s31 =	sadd.s32 $0xFFFFFFFF, s14  }
0x2b: {  	s19 =	sxor.u32 @!p1 $0xFFFFFFFF, s14;
	s20 =	sshll.u32 @!p1 s11, $0x9;
	s21 =	sshll.u32 @!p1 s10, $0x3  }
0x2c: {  	s22 =	sand.u32 @!p1 $0x78, s10;
	s20 =	sand.u32 @!p1 $0x1000, s20;
	s21 =	sand.u32 @!p1 $0x1C00, s21  }
0x2d: {  	s24 =	smul.u32 @!p1 $0x1400, s13;
	s20 =	sadd.s32 @!p1 s20, s21;
	s21 =	sshll.u32 @!p1 s11, $0x7  }
0x2e: {  	s19 =	sshll.u32 @!p1 s19, $0xE;
	s23 =	sand.u32 @!p1 $0x200, s21;
	s21 =	sand.u32 @!p1 $0x180, s21  }
0x2f: {  	s19 =	sand.u32 @!p1 $0x4000, s19;
	s20 =	sor.u32 @!p1 s23, s20;
	s21 =	sor.u32 @!p1 s22, s21  }
0x30: {  	s22 =	sshll.u32 @!p1 s12, $0xA;
	s23 =	sadd.s32 @!p1 s4, s24;
	s20 =	sshrl.u32 @!p1 s20, $0x3  }
0x31: {  	s21 =	sshrl.u32 @!p1 s21, $0x3;
	s22 =	sadd.s32 @!p1 s22, s23;
	s23 =	sand.u32 @!p1 $0x7, s10  }
0x32: {  	s20 =	sand.u32 @!p1 $0x3C0, s20;
	s21 =	sadd.s32 @!p1 s21, s22;
	s22 =	sshll.u32 @!p1 s23, $0x12  }
0x33: {  	s20 =	sadd.s32 @!p1 s20, s21;
	s21 =	sor.u32 @!p1 $0x80, s22;
	s22 =	simm.s32 @!p1 $0xA000  }
0x34: {  	[tilespmem:s19], [sflag:$0x1] =	stream.strided.gather @!p1 [hbm4b:s20+s21], $0x4000, s22, s21, $0x38;
	[tilespmem:$0x10100] =	vst v63  }
0x35: {  	p1 =	sge.u32 s31, s6  }
.Ltmp2:
0x36: {  	_ = 	snop;
	(pc) =	sbr.rel @p1 .LBB1_5-.Ltmp2, $1  }
0x37: {  	_ =	sdelay $0x3  }
0x38: {  	s19 =	simm.s32 $0x1  }
0x39: {  	_ =	swait.ge [sflag:s5], $0x4000;
	s19 =	simm.s32 @!p0 $0x0  }
0x3a: {  	[sflag:s5] =	ssyncset.done $0x0;
	s20 =	sshll.u32 s19, $0xE  }
0x3b: {  	[sflag:s5] =	ssyncadd.s32 $0xFFFFC000;
	s20 =	sor.u32 $0x40, s20  }
0x3c: {  	s19 =	smul.u32 $0x10200, s19;
	v0 =	vld [tilespmem:s20+$0x30]  }
0x3d: {  	v1 =	vld [tilespmem:s20+$0xFFFFFFD0]  }
0x3e: {  	s19 =	sshrl.u32 s19, $0x2;
	v5 =	vld [tilespmem:s20+$0xFFFFFFE0]  }
0x3f: {  	v6 =	vld [tilespmem:s20+$0xFFFFFFF0];
	s21 =	sor.u32 $0x8000, s19  }
0x40: {  	s31 =	sand.u32 $0x1, s14;
	v2 =	vld [tilespmem:s20+$0x0];
	s22 =	sadd.s32 $0x0, s21  }
0x41: {  	v3 =	vld [tilespmem:s20+$0x10];
	s19 =	smul.u32 $0x10200, s31;
	[tilespmem:s22+$0x3870 ss:$0x81] =	vst.msk $0xffff, v0  }
0x42: {  	v4 =	vld [tilespmem:s20+$0x20];
	[tilespmem:s22+$0x810 ss:$0x81] =	vst.msk $0xffff, v1  }
0x43: {  	s19 =	sshrl.u32 s19, $0x2;
	v0 =	vld [tilespmem:s20+$0xFFFFFFC0];
	[tilespmem:s22+$0x1020 ss:$0x81] =	vst.msk $0xffff, v5;
	s20 =	sadd.s32 $0x80, s20  }
0x44: {  	s23 =	simm.s32 $0x4;
	s24 =	simm.s32 $0x8;
	s19 =	sor.u32 $0x8000, s19;
	[tilespmem:s22+$0x1830 ss:$0x81] =	vst.msk $0xffff, v6;
	v1 =	vld [tilespmem:s20+$0x30]  }
.LBB1_3:
0x45: {  	p1 =	sne.s32 s24, $0x1FC;
	v5 =	vld [tilespmem:s20+$0xFFFFFFD0];
	[tilespmem:s22+$0x2040 ss:$0x81] =	vst.msk $0xffff, v2  }
0x46: {  	v6 =	vld [tilespmem:s20+$0xFFFFFFE0];
	[tilespmem:s22+$0x2850 ss:$0x81] =	vst.msk $0xffff, v3  }
0x47: {  	s25 =	sshra.s32 s23, $0x2;
	s23 =	smov.u32 s24;
	v7 =	vld [tilespmem:s20+$0xFFFFFFF0];
	[tilespmem:s22+$0x3060 ss:$0x81] =	vst.msk $0xffff, v4  }
.Ltmp3:
0x48: {  	v2 =	vld [tilespmem:s20+$0x0];
	[tilespmem:s22+$0x0 ss:$0x81] =	vst.msk $0xffff, v0;
	s22 =	sadd.s32 s25, s21;
	(pc) =	sbr.rel @p1 .LBB1_3-.Ltmp3, $4  }
0x49: {  	v3 =	vld [tilespmem:s20+$0x10];
	[tilespmem:s22+$0x3870 ss:$0x81] =	vst.msk $0xffff, v1  }
0x4a: {  	[tilespmem:s22+$0x810 ss:$0x81] =	vst.msk $0xffff, v5;
	v4 =	vld [tilespmem:s20+$0x20]  }
0x4b: {  	v0 =	vld [tilespmem:s20+$0xFFFFFFC0];
	[tilespmem:s22+$0x1020 ss:$0x81] =	vst.msk $0xffff, v6;
	s20 =	sadd.s32 $0x80, s20  }
0x4c: {  	s24 =	sadd.s32 $0x4, s24;
	v1 =	vld [tilespmem:s20+$0x30];
	[tilespmem:s22+$0x1830 ss:$0x81] =	vst.msk $0xffff, v7  }
.Ltmp4:
0x4d: {  	_ = 	snop;
	(pc) =	sbr.rel .LBB1_4-.Ltmp4, $1  }
0x4e: {  	_ =	sdelay $0x3  }
.LBB1_6:
0x4f: {  	_ =	sfence.sel $0x180000  }
0x50: {  	s2 =	simm.s32 $0x1;
	[bflag:$0x0] =	sbarrier.arrive $0xFFFF  }
0x51: {  	s31 =	simm.s32 $0x2;
	[sflag:s2] =	ssyncpa.u1 $0x1  }
0x52: {  	[sflag:s31] =	ssyncpa.u1 $0x1  }
0x53: {  	p0 =	sne.s32 s0, $0x0;
	_ =	strace $0x90000047  }
0x54: {  	s0 =	sadd.s32 @!p0 $0x100000, s1;
	[bflag:$0x2] =	sbarrier.arrive $0xFFFF  }
0x55: {  	[sflag:s0] =	ssyncadd.tile.s32 @!p0 $0x1;
	_ =	shalt  }
.Lfunc_end1:
_tile_overlayer_lowered:
.L_overlay_start_2:
0x56: {  	(tag) =	ssettag $0x2  }
0x57: {  	s0 =	rddreg [dreg:$0x0];
	s2 =	stileid.u32  }
0x58: {  	s1 =	rddreg [dreg:$0x1];
	p0 =	sne.s32 s2, $0x0  }
0x59: {  	s3 =	rddreg [dreg:$0x2];
	[bflag:$0x3] =	sbarrier.arrive $0xFFFF;
	s2 =	simm.s32 @!p0 $0x1C01  }
0x5a: {  	[timem:s3], [sflag:s2] =	dma.local @!p0 [hbm:s0], s1  }
0x5b: {  	s0 =	simm.s32 @!p0 $0x1  }
0x5c: {  	_ =	swait.ge @!p0 [sflag:s0], s1  }
0x5d: {  	s1 =	ssub.s32 @!p0 $0x0, s1;
	[sflag:s0] =	ssyncset.done @!p0 $0x0  }
0x5e: {  	[sflag:s0] =	ssyncadd.s32 @!p0 s1  }
0x5f: {  	[bflag:$0x3] =	sbarrier.arrive $0xFFFF  }
0x60: {  	_ =	shalt  }

</sc_bundles>
